<compile_context>
chip_gen: v7x
topology: tpu7x:2x2x1
jax: 0.10.2.dev20260603
libtpu: 0.0.44.dev20260713+nightly
codegen_flags: <defaults>
</compile_context>

<pallas_src>
import functools

import jax
import jax.numpy as jnp
from jax import lax
from jax.experimental import pallas as pl
from jax.experimental.pallas import tpu as pltpu
from jax.experimental.pallas import tpu_sc as plsc

NUM_OBJ = 151
NUM_REL = 51
BATCH = 16384

NC, NS, L = 2, 16, 16
NW = NC * NS
B_PER_W = BATCH // NW
D_PAD = 128
G = 128
N_CHUNK = B_PER_W // G


@jax.jit
def _sc_gather(l0, l1, table_pad):
    mesh = plsc.VectorSubcoreMesh(core_axis_name="c", subcore_axis_name="s")

    @functools.partial(
        pl.kernel,
        mesh=mesh,
        out_type=jax.ShapeDtypeStruct((BATCH, D_PAD), jnp.float32),
        scratch_types=[
            pltpu.VMEM((B_PER_W,), jnp.int32),
            pltpu.VMEM((B_PER_W,), jnp.int32),
            pltpu.VMEM((B_PER_W,), jnp.int32),
            pltpu.VMEM((B_PER_W, D_PAD), jnp.float32),
            pltpu.SemaphoreType.DMA,
        ],
    )
    def k(l0_hbm, l1_hbm, table_hbm, out_hbm, l0_v, l1_v, idx_v, rows_v, sem):
        wid = lax.axis_index("s") * NC + lax.axis_index("c")
        base = wid * B_PER_W
        pltpu.sync_copy(l0_hbm.at[pl.ds(base, B_PER_W)], l0_v)
        pltpu.sync_copy(l1_hbm.at[pl.ds(base, B_PER_W)], l1_v)

        @pl.loop(0, B_PER_W, step=L)
        def _(c):
            sl = pl.ds(c, L)
            idx_v.at[sl][...] = l0_v.at[sl][...] * NUM_OBJ + l1_v.at[sl][...]

        for j in range(N_CHUNK):
            pltpu.async_copy(
                table_hbm.at[idx_v.at[pl.ds(j * G, G)]],
                rows_v.at[pl.ds(j * G, G)],
                sem,
            )
        for j in range(N_CHUNK):
            pltpu.make_async_copy(
                table_hbm.at[idx_v.at[pl.ds(j * G, G)]],
                rows_v.at[pl.ds(j * G, G)],
                sem,
            ).wait()

        pltpu.sync_copy(rows_v, out_hbm.at[pl.ds(base, B_PER_W)])

    return k(l0, l1, table_pad)


def kernel(labels, table):
    l0 = labels[:, 0].astype(jnp.int32)
    l1 = labels[:, 1].astype(jnp.int32)
    table_pad = jnp.pad(table, ((0, 0), (0, D_PAD - NUM_REL)))
    out_pad = _sc_gather(l0, l1, table_pad)
    return out_pad[:, :NUM_REL]

# --- scband reference (transcript-rebuilt; emitter-appended) ---
"""Pipeline reference for scband-frequency-bias-gcl-49469433315558 (READ-ONLY COPY).

The authoritative reference and input builder live on the scoring server;
editing this copy changes nothing except your own understanding.
"""

import jax, jax.numpy as jnp
import numpy as np

NUM_OBJ = 151
NUM_REL = 51
BATCH = 16384
EPS = 1e-3


def setup_inputs(seed: int = 0) -> dict:
    key = jax.random.key(seed)
    k1, k2 = jax.random.split(key)
    # Construct the frequency-bias table exactly as the torch module does:
    # fg_matrix counts -> normalized over relation axis -> log(p + eps) -> flattened to [num_obj^2, num_rel]
    fg = jax.random.randint(k1, (NUM_OBJ, NUM_OBJ, NUM_REL), 1, 1000).astype(jnp.float32)
    pred_dist = jnp.log(fg / jnp.sum(fg, axis=2, keepdims=True) + EPS)
    table = pred_dist.reshape(NUM_OBJ * NUM_OBJ, NUM_REL)  # obj_baseline.weight
    labels = jax.random.randint(k2, (BATCH, 2), 0, NUM_OBJ)
    return {"labels": labels, "table": table}


def reference(labels, table):
    # index_with_labels: embedding lookup at labels[:,0]*num_objs + labels[:,1]
    idx = labels[:, 0] * NUM_OBJ + labels[:, 1]
    return jnp.take(table, idx, axis=0)

if __name__ == "__main__":
    import jax
    _d = setup_inputs()
    print(jax.jit(kernel)(*tuple(_d.values())))

</pallas_src>

<mosaic_0001>
#map = affine_map<(d0, d1) -> (0)>
#map1 = affine_map<(d0, d1) -> (0, 0)>
module attributes {stable_mosaic.version = 14 : i64} {
  func.func @k(%arg0: i32, %arg1: i32, %arg2: memref<16384xi32, #tpu.memory_space<hbm>>, %arg3: memref<16384xi32, #tpu.memory_space<hbm>>, %arg4: memref<22801x128xf32, #tpu.memory_space<hbm>>, %arg5: memref<16384x128xf32, #tpu.memory_space<hbm>>, %arg6: memref<512xi32, #tpu.memory_space<vmem>>, %arg7: memref<512xi32, #tpu.memory_space<vmem>>, %arg8: memref<512xi32, #tpu.memory_space<vmem>>, %arg9: memref<512x128xf32, #tpu.memory_space<vmem>>, %arg10: memref<!tpu.dma_semaphore, #tpu.memory_space<semaphore_mem>>) attributes {dimension_semantics = [#tpu.dimension_semantics<core_parallel>, #tpu.dimension_semantics<subcore_parallel>], iteration_bounds = array<i64: 2, 16>, scalar_prefetch = 0 : i64, scratch_operands = 5 : i64, tpu.core_type = #tpu.core_type<sc_vector_subcore>, window_params = [{transform_indices = #map}, {transform_indices = #map}, {transform_indices = #map1}, {transform_indices = #map1}]} {
    %mul3A = arith.constant 2 : i32
    %mul3A_0 = arith.muli %arg1, %mul3A : i32
    %add3A = arith.addi %mul3A_0, %arg0 : i32
    %mul3A_1 = arith.constant 512 : i32
    %mul3A_2 = arith.muli %add3A, %mul3A_1 : i32
    "tpu.region"() ({
      %run_scoped3A = tpu.sem_alloc : memref<!tpu.dma_semaphore, #tpu.memory_space<semaphore_mem>>
      %dma_start3A_69 = tpu.memref_slice %arg2[%mul3A_2] : memref<16384xi32, #tpu.memory_space<hbm>> -> memref<512xi32, #tpu.memory_space<hbm>>
      %dma_start3A_70 = tpu.memref_slice %arg2[%mul3A_2] : memref<16384xi32, #tpu.memory_space<hbm>> -> memref<512xi32, #tpu.memory_space<hbm>>
      tpu.enqueue_dma source(%dma_start3A_70 : memref<512xi32, #tpu.memory_space<hbm>>) target(%arg6 : memref<512xi32, #tpu.memory_space<vmem>>) target_semaphore(%run_scoped3A : memref<!tpu.dma_semaphore, #tpu.memory_space<semaphore_mem>>)
      %dma_wait3A_71 = tpu.memref_slice %arg2[%mul3A_2] : memref<16384xi32, #tpu.memory_space<hbm>> -> memref<512xi32, #tpu.memory_space<hbm>>
      %dma_wait3A_72 = tpu.memref_slice %arg2[%mul3A_2] : memref<16384xi32, #tpu.memory_space<hbm>> -> memref<512xi32, #tpu.memory_space<hbm>>
      tpu.wait_dma2 semaphore(%run_scoped3A : memref<!tpu.dma_semaphore, #tpu.memory_space<semaphore_mem>>) src(%dma_wait3A_72 : memref<512xi32, #tpu.memory_space<hbm>>) dst(%arg6 : memref<512xi32, #tpu.memory_space<vmem>>)
      tpu.yield
    }) : () -> ()
    "tpu.region"() ({
      %run_scoped3A = tpu.sem_alloc : memref<!tpu.dma_semaphore, #tpu.memory_space<semaphore_mem>>
      %dma_start3A_69 = tpu.memref_slice %arg3[%mul3A_2] : memref<16384xi32, #tpu.memory_space<hbm>> -> memref<512xi32, #tpu.memory_space<hbm>>
      %dma_start3A_70 = tpu.memref_slice %arg3[%mul3A_2] : memref<16384xi32, #tpu.memory_space<hbm>> -> memref<512xi32, #tpu.memory_space<hbm>>
      tpu.enqueue_dma source(%dma_start3A_70 : memref<512xi32, #tpu.memory_space<hbm>>) target(%arg7 : memref<512xi32, #tpu.memory_space<vmem>>) target_semaphore(%run_scoped3A : memref<!tpu.dma_semaphore, #tpu.memory_space<semaphore_mem>>)
      %dma_wait3A_71 = tpu.memref_slice %arg3[%mul3A_2] : memref<16384xi32, #tpu.memory_space<hbm>> -> memref<512xi32, #tpu.memory_space<hbm>>
      %dma_wait3A_72 = tpu.memref_slice %arg3[%mul3A_2] : memref<16384xi32, #tpu.memory_space<hbm>> -> memref<512xi32, #tpu.memory_space<hbm>>
      tpu.wait_dma2 semaphore(%run_scoped3A : memref<!tpu.dma_semaphore, #tpu.memory_space<semaphore_mem>>) src(%dma_wait3A_72 : memref<512xi32, #tpu.memory_space<hbm>>) dst(%arg7 : memref<512xi32, #tpu.memory_space<vmem>>)
      tpu.yield
    }) : () -> ()
    %scan3A = arith.constant 0 : i32
    %scan3A_3 = arith.constant 32 : i32
    %scan3A_4 = arith.addi %scan3A, %scan3A_3 : i32
    %scan3A_5 = arith.constant 1 : i32
    scf.for %scan3A_69 = %scan3A to %scan3A_4 step %scan3A_5  : i32 {
      %mul3A_70 = arith.constant 16 : i32
      %mul3A_71 = arith.muli %scan3A_69, %mul3A_70 : i32
      %add3A_72 = arith.constant 0 : i32
      %add3A_73 = arith.addi %add3A_72, %mul3A_71 : i32
      %get3A = arith.index_cast %add3A_73 : i32 to index
      %get3A_74 = tpu.vector_load %arg6[%get3A] {strides = array<i32>} : memref<512xi32, #tpu.memory_space<vmem>>, vector<16xi32>,
      %get3A_75 = vector.shape_cast %get3A_74 : vector<16xi32> to vector<16xi32>
      %mul3A_76 = arith.constant 151 : i32
      %mul3A_77 = vector.broadcast %mul3A_76 : i32 to vector<16xi32>
      %mul3A_78 = arith.muli %get3A_75, %mul3A_77 : vector<16xi32>
      %get3A_79 = arith.index_cast %add3A_73 : i32 to index
      %get3A_80 = tpu.vector_load %arg7[%get3A_79] {strides = array<i32>} : memref<512xi32, #tpu.memory_space<vmem>>, vector<16xi32>,
      %get3A_81 = vector.shape_cast %get3A_80 : vector<16xi32> to vector<16xi32>
      %add3A_82 = arith.addi %mul3A_78, %get3A_81 : vector<16xi32>
      %swap3A = arith.index_cast %add3A_73 : i32 to index
      %swap3A_83 = tpu.vector_load %arg8[%swap3A] {strides = array<i32>} : memref<512xi32, #tpu.memory_space<vmem>>, vector<16xi32>,
      %swap3A_84 = vector.shape_cast %swap3A_83 : vector<16xi32> to vector<16xi32>
      %swap3A_85 = vector.shape_cast %add3A_82 : vector<16xi32> to vector<16xi32>
      tpu.vector_store %arg8[%swap3A], %swap3A_85 {strides = array<i32>} : memref<512xi32, #tpu.memory_space<vmem>>, vector<16xi32>,
    }
    %scan3A_6 = arith.constant 32 : i32
    %dma_start3A = arith.constant 0 : i32
    %dma_start3A_7 = arith.constant 0 : i32
    %dma_start3A_8 = tpu.memref_slice %arg9[%dma_start3A, %dma_start3A_7] : memref<512x128xf32, #tpu.memory_space<vmem>> -> memref<128x128xf32, #tpu.memory_space<vmem>>
    %dma_start3A_9 = arith.constant 0 : i32
    %dma_start3A_10 = tpu.memref_slice %arg8[%dma_start3A_9] : memref<512xi32, #tpu.memory_space<vmem>> -> memref<128xi32, #tpu.memory_space<vmem>>
    %dma_start3A_11 = arith.constant 0 : i32
    %dma_start3A_12 = arith.constant 0 : i32
    %dma_start3A_13 = tpu.memref_slice %arg4[%dma_start3A_11, %dma_start3A_12] : memref<22801x128xf32, #tpu.memory_space<hbm>> -> memref<22801x128xf32, #tpu.memory_space<hbm>>
    tpu.enqueue_indirect_dma source(%dma_start3A_13 : memref<22801x128xf32, #tpu.memory_space<hbm>>) target(%dma_start3A_8 : memref<128x128xf32, #tpu.memory_space<vmem>>) offsets(%dma_start3A_10 : memref<128xi32, #tpu.memory_space<vmem>>) semaphore(%arg10 : memref<!tpu.dma_semaphore, #tpu.memory_space<semaphore_mem>>)
    %dma_start3A_14 = arith.constant 128 : i32
    %dma_start3A_15 = arith.constant 0 : i32
    %dma_start3A_16 = tpu.memref_slice %arg9[%dma_start3A_14, %dma_start3A_15] : memref<512x128xf32, #tpu.memory_space<vmem>> -> memref<128x128xf32, #tpu.memory_space<vmem>>
    %dma_start3A_17 = arith.constant 128 : i32
    %dma_start3A_18 = tpu.memref_slice %arg8[%dma_start3A_17] : memref<512xi32, #tpu.memory_space<vmem>> -> memref<128xi32, #tpu.memory_space<vmem>>
    %dma_start3A_19 = arith.constant 0 : i32
    %dma_start3A_20 = arith.constant 0 : i32
    %dma_start3A_21 = tpu.memref_slice %arg4[%dma_start3A_19, %dma_start3A_20] : memref<22801x128xf32, #tpu.memory_space<hbm>> -> memref<22801x128xf32, #tpu.memory_space<hbm>>
    tpu.enqueue_indirect_dma source(%dma_start3A_21 : memref<22801x128xf32, #tpu.memory_space<hbm>>) target(%dma_start3A_16 : memref<128x128xf32, #tpu.memory_space<vmem>>) offsets(%dma_start3A_18 : memref<128xi32, #tpu.memory_space<vmem>>) semaphore(%arg10 : memref<!tpu.dma_semaphore, #tpu.memory_space<semaphore_mem>>)
    %dma_start3A_22 = arith.constant 256 : i32
    %dma_start3A_23 = arith.constant 0 : i32
    %dma_start3A_24 = tpu.memref_slice %arg9[%dma_start3A_22, %dma_start3A_23] : memref<512x128xf32, #tpu.memory_space<vmem>> -> memref<128x128xf32, #tpu.memory_space<vmem>>
    %dma_start3A_25 = arith.constant 256 : i32
    %dma_start3A_26 = tpu.memref_slice %arg8[%dma_start3A_25] : memref<512xi32, #tpu.memory_space<vmem>> -> memref<128xi32, #tpu.memory_space<vmem>>
    %dma_start3A_27 = arith.constant 0 : i32
    %dma_start3A_28 = arith.constant 0 : i32
    %dma_start3A_29 = tpu.memref_slice %arg4[%dma_start3A_27, %dma_start3A_28] : memref<22801x128xf32, #tpu.memory_space<hbm>> -> memref<22801x128xf32, #tpu.memory_space<hbm>>
    tpu.enqueue_indirect_dma source(%dma_start3A_29 : memref<22801x128xf32, #tpu.memory_space<hbm>>) target(%dma_start3A_24 : memref<128x128xf32, #tpu.memory_space<vmem>>) offsets(%dma_start3A_26 : memref<128xi32, #tpu.memory_space<vmem>>) semaphore(%arg10 : memref<!tpu.dma_semaphore, #tpu.memory_space<semaphore_mem>>)
    %dma_start3A_30 = arith.constant 384 : i32
    %dma_start3A_31 = arith.constant 0 : i32
    %dma_start3A_32 = tpu.memref_slice %arg9[%dma_start3A_30, %dma_start3A_31] : memref<512x128xf32, #tpu.memory_space<vmem>> -> memref<128x128xf32, #tpu.memory_space<vmem>>
    %dma_start3A_33 = arith.constant 384 : i32
    %dma_start3A_34 = tpu.memref_slice %arg8[%dma_start3A_33] : memref<512xi32, #tpu.memory_space<vmem>> -> memref<128xi32, #tpu.memory_space<vmem>>
    %dma_start3A_35 = arith.constant 0 : i32
    %dma_start3A_36 = arith.constant 0 : i32
    %dma_start3A_37 = tpu.memref_slice %arg4[%dma_start3A_35, %dma_start3A_36] : memref<22801x128xf32, #tpu.memory_space<hbm>> -> memref<22801x128xf32, #tpu.memory_space<hbm>>
    tpu.enqueue_indirect_dma source(%dma_start3A_37 : memref<22801x128xf32, #tpu.memory_space<hbm>>) target(%dma_start3A_32 : memref<128x128xf32, #tpu.memory_space<vmem>>) offsets(%dma_start3A_34 : memref<128xi32, #tpu.memory_space<vmem>>) semaphore(%arg10 : memref<!tpu.dma_semaphore, #tpu.memory_space<semaphore_mem>>)
    %dma_wait3A = arith.constant 0 : i32
    %dma_wait3A_38 = arith.constant 0 : i32
    %dma_wait3A_39 = tpu.memref_slice %arg9[%dma_wait3A, %dma_wait3A_38] : memref<512x128xf32, #tpu.memory_space<vmem>> -> memref<128x128xf32, #tpu.memory_space<vmem>>
    %dma_wait3A_40 = arith.constant 0 : i32
    %dma_wait3A_41 = tpu.memref_slice %arg8[%dma_wait3A_40] : memref<512xi32, #tpu.memory_space<vmem>> -> memref<128xi32, #tpu.memory_space<vmem>>
    %dma_wait3A_42 = arith.constant 0 : i32
    %dma_wait3A_43 = arith.constant 0 : i32
    %dma_wait3A_44 = tpu.memref_slice %arg4[%dma_wait3A_42, %dma_wait3A_43] : memref<22801x128xf32, #tpu.memory_space<hbm>> -> memref<22801x128xf32, #tpu.memory_space<hbm>>
    tpu.wait_indirect_dma semaphore(%arg10 : memref<!tpu.dma_semaphore, #tpu.memory_space<semaphore_mem>>) src(%dma_wait3A_44 : memref<22801x128xf32, #tpu.memory_space<hbm>>) dst(%dma_wait3A_39 : memref<128x128xf32, #tpu.memory_space<vmem>>)
    %dma_wait3A_45 = arith.constant 128 : i32
    %dma_wait3A_46 = arith.constant 0 : i32
    %dma_wait3A_47 = tpu.memref_slice %arg9[%dma_wait3A_45, %dma_wait3A_46] : memref<512x128xf32, #tpu.memory_space<vmem>> -> memref<128x128xf32, #tpu.memory_space<vmem>>
    %dma_wait3A_48 = arith.constant 128 : i32
    %dma_wait3A_49 = tpu.memref_slice %arg8[%dma_wait3A_48] : memref<512xi32, #tpu.memory_space<vmem>> -> memref<128xi32, #tpu.memory_space<vmem>>
    %dma_wait3A_50 = arith.constant 0 : i32
    %dma_wait3A_51 = arith.constant 0 : i32
    %dma_wait3A_52 = tpu.memref_slice %arg4[%dma_wait3A_50, %dma_wait3A_51] : memref<22801x128xf32, #tpu.memory_space<hbm>> -> memref<22801x128xf32, #tpu.memory_space<hbm>>
    tpu.wait_indirect_dma semaphore(%arg10 : memref<!tpu.dma_semaphore, #tpu.memory_space<semaphore_mem>>) src(%dma_wait3A_52 : memref<22801x128xf32, #tpu.memory_space<hbm>>) dst(%dma_wait3A_47 : memref<128x128xf32, #tpu.memory_space<vmem>>)
    %dma_wait3A_53 = arith.constant 256 : i32
    %dma_wait3A_54 = arith.constant 0 : i32
    %dma_wait3A_55 = tpu.memref_slice %arg9[%dma_wait3A_53, %dma_wait3A_54] : memref<512x128xf32, #tpu.memory_space<vmem>> -> memref<128x128xf32, #tpu.memory_space<vmem>>
    %dma_wait3A_56 = arith.constant 256 : i32
    %dma_wait3A_57 = tpu.memref_slice %arg8[%dma_wait3A_56] : memref<512xi32, #tpu.memory_space<vmem>> -> memref<128xi32, #tpu.memory_space<vmem>>
    %dma_wait3A_58 = arith.constant 0 : i32
    %dma_wait3A_59 = arith.constant 0 : i32
    %dma_wait3A_60 = tpu.memref_slice %arg4[%dma_wait3A_58, %dma_wait3A_59] : memref<22801x128xf32, #tpu.memory_space<hbm>> -> memref<22801x128xf32, #tpu.memory_space<hbm>>
    tpu.wait_indirect_dma semaphore(%arg10 : memref<!tpu.dma_semaphore, #tpu.memory_space<semaphore_mem>>) src(%dma_wait3A_60 : memref<22801x128xf32, #tpu.memory_space<hbm>>) dst(%dma_wait3A_55 : memref<128x128xf32, #tpu.memory_space<vmem>>)
    %dma_wait3A_61 = arith.constant 384 : i32
    %dma_wait3A_62 = arith.constant 0 : i32
    %dma_wait3A_63 = tpu.memref_slice %arg9[%dma_wait3A_61, %dma_wait3A_62] : memref<512x128xf32, #tpu.memory_space<vmem>> -> memref<128x128xf32, #tpu.memory_space<vmem>>
    %dma_wait3A_64 = arith.constant 384 : i32
    %dma_wait3A_65 = tpu.memref_slice %arg8[%dma_wait3A_64] : memref<512xi32, #tpu.memory_space<vmem>> -> memref<128xi32, #tpu.memory_space<vmem>>
    %dma_wait3A_66 = arith.constant 0 : i32
    %dma_wait3A_67 = arith.constant 0 : i32
    %dma_wait3A_68 = tpu.memref_slice %arg4[%dma_wait3A_66, %dma_wait3A_67] : memref<22801x128xf32, #tpu.memory_space<hbm>> -> memref<22801x128xf32, #tpu.memory_space<hbm>>
    tpu.wait_indirect_dma semaphore(%arg10 : memref<!tpu.dma_semaphore, #tpu.memory_space<semaphore_mem>>) src(%dma_wait3A_68 : memref<22801x128xf32, #tpu.memory_space<hbm>>) dst(%dma_wait3A_63 : memref<128x128xf32, #tpu.memory_space<vmem>>)
    "tpu.region"() ({
      %run_scoped3A = tpu.sem_alloc : memref<!tpu.dma_semaphore, #tpu.memory_space<semaphore_mem>>
      %dma_start3A_69 = arith.constant 0 : i32
      %dma_start3A_70 = tpu.memref_slice %arg5[%mul3A_2, %dma_start3A_69] : memref<16384x128xf32, #tpu.memory_space<hbm>> -> memref<512x128xf32, #tpu.memory_space<hbm>>
      %dma_start3A_71 = arith.constant 0 : i32
      %dma_start3A_72 = tpu.memref_slice %arg5[%mul3A_2, %dma_start3A_71] : memref<16384x128xf32, #tpu.memory_space<hbm>> -> memref<512x128xf32, #tpu.memory_space<hbm>>
      tpu.enqueue_dma source(%arg9 : memref<512x128xf32, #tpu.memory_space<vmem>>) target(%dma_start3A_72 : memref<512x128xf32, #tpu.memory_space<hbm>>) target_semaphore(%run_scoped3A : memref<!tpu.dma_semaphore, #tpu.memory_space<semaphore_mem>>)
      %dma_wait3A_73 = arith.constant 0 : i32
      %dma_wait3A_74 = tpu.memref_slice %arg5[%mul3A_2, %dma_wait3A_73] : memref<16384x128xf32, #tpu.memory_space<hbm>> -> memref<512x128xf32, #tpu.memory_space<hbm>>
      %dma_wait3A_75 = arith.constant 0 : i32
      %dma_wait3A_76 = tpu.memref_slice %arg5[%mul3A_2, %dma_wait3A_75] : memref<16384x128xf32, #tpu.memory_space<hbm>> -> memref<512x128xf32, #tpu.memory_space<hbm>>
      tpu.wait_dma2 semaphore(%run_scoped3A : memref<!tpu.dma_semaphore, #tpu.memory_space<semaphore_mem>>) src(%arg9 : memref<512x128xf32, #tpu.memory_space<vmem>>) dst(%dma_wait3A_76 : memref<512x128xf32, #tpu.memory_space<hbm>>)
      tpu.yield
    }) : () -> ()
    return
  }
}

</mosaic_0001>

<sc_bundles>
// kernel: _sc_gather.3.cloned.1.call-start
scs
__scs_entry_jumppad:
0x0: {  	(pc) =	sbr.rel $0x88, $3  }
0x1: {  	(tag) =	ssettag $0x0;
	lr =	simm.s32 $0x1  }
0x2: {  	[smem:$0x3F9E] =	sst lr;
	_ =	strace $0xD0000000  }
0x3: {  	_ = 	snop  }
0x4: {  	_ = 	snop  }
0x5: {  	_ = 	snop  }
0x6: {  	_ = 	snop  }
0x7: {  	_ = 	snop  }
__scs_overlays_trampoline_lowered:
0x8: {  	[smem:$0x3FAD] =	sst s0  }
0x9: {  	[smem:$0x3FAE] =	sst s1  }
0xa: {  	[smem:$0x3FAF] =	sst s2  }
0xb: {  	[smem:$0x3FB0] =	sst s3  }
0xc: {  	[smem:$0x3FB1] =	sst s4  }
0xd: {  	[smem:$0x3FB2] =	sst s5  }
0xe: {  	[smem:$0x3FB3] =	sst s6  }
0xf: {  	[smem:$0x3FB4] =	sst s7  }
0x10: {  	[smem:$0x3FB5] =	sst s8  }
0x11: {  	[smem:$0x3FB6] =	sst s9;
	s0 =	simm.s32 @!p0 $0x0  }
0x12: {  	s1 =	sld [smem:$0x3F9C];
	s0 =	simm.s32 @p0 $0x1  }
0x13: {  	[smem:$0x3FB7] =	sst s0;
	s0 =	simm.s32 @!p1 $0x0  }
0x14: {  	s2 =	sld [smem:$0x3F9B];
	s0 =	simm.s32 @p1 $0x1  }
0x15: {  	[smem:$0x3FB8] =	sst s0;
	s0 =	simm.s32 @!p2 $0x0  }
0x16: {  	s3 =	sld [smem:$0x3FDB];
	s0 =	simm.s32 @p2 $0x1  }
0x17: {  	s4 =	simm.s32 $0x1BF5;
	[smem:$0x3FBA] =	sst s0  }
0x18: {  	s0 =	sld [smem:$0x3F9D];
	_ =	swait.ge [sflag:s4], $0x0  }
0x19: {  	s7 =	sld [smem:$0x3F9E]  }
0x1a: {  	s8 =	sadd.s32 $0xFFFFE003, lr  }
0x1b: {  	s9 =	sadd.s32 $0xFFFFFEF7, lr;
	s5 =	simm.s32 $0xFFFFFFFF;
	p2 =	slt.u32 s8, $0xFFFFF086  }
0x1c: {  	p1 =	slt.u32 s9, $0xF7A;
	s5 =	simm.s32 @!p2 $0x0  }
0x1d: {  	s5 =	simm.s32 @p1 $0x1;
	p0 =	seq.s32 s7, s2  }
0x1e: {  	s7 =	smul.u32 @!p0 $0xF7A, s2;
	p2 =	seq.s32 @!p0 s5, $0x0  }
0x1f: {  	s9 =	smul.u32 $0xF7A, s1;
	s8 =	simm.s32 @!p0 $0x1BF5;
	p2 =	por !p2, p0  }
0x20: {  	[sflag:s8] =	ssyncset.s32 @!p0 $0xFFFFF086;
	s6 =	sadd.s32 @!p0 s3, s7;
	s7 =	simm.s32 @!p0 $0x108  }
0x21: {  	s3 =	sadd.s32 s3, s9;
	s6 =	sadd.s32 @!p0 $0x88, s6;
	s7 =	simm.s32 @p2 $0x1082  }
0x22: {  	[simem:s7], [sflag:s8] =	dma.local @!p0 [hbm:s6], $0xF7A  }
0x23: {  	s9 =	sor.u32 $0xD0000000, s2;
	s6 =	simm.s32 $0x108;
	_ =	swait.ge @!p0 [sflag:s8], $0x0  }
0x24: {  	s3 =	sadd.s32 $0x88, s3;
	s6 =	simm.s32 @!p1 $0x1082;
	[sflag:s4] =	ssyncset.s32 $0xFFFFF086  }
0x25: {  	[simem:s6], [sflag:s4] =	dma.local [hbm:s3], $0xF7A  }
0x26: {  	[smem:$0x3F9E] =	sst s1;
	(tag) =	ssettag s2;
	_ =	strace s9  }
0x27: {  	s1 =	sld [smem:$0x3FAE]  }
0x28: {  	s2 =	sld [smem:$0x3FAF]  }
0x29: {  	s4 =	sld [smem:$0x3FB1]  }
0x2a: {  	p0 =	seq.s32 s5, $0x0;
	s5 =	sld [smem:$0x3FB2]  }
0x2b: {  	s6 =	sld [smem:$0x3FB3]  }
0x2c: {  	s7 =	sld [smem:$0x3FB4]  }
0x2d: {  	s3 =	simm.s32 $0x108;
	s8 =	sld [smem:$0x3FB5]  }
0x2e: {  	s3 =	simm.s32 @!p0 $0x1082;
	s9 =	sld [smem:$0x3FB6]  }
0x2f: {  	lr =	sadd.s32 s0, s3;
	s0 =	sld [smem:$0x3FAD]  }
0x30: {  	s3 =	sld [smem:$0x3FB0]  }
0x31: {  	[smem:$0x3FB9] =	sst s10  }
0x32: {  	s10 =	sld [smem:$0x3FB7];
	_ =	sdelay $0x3  }
0x33: {  	p0 =	seq.s32 s10, $0x1;
	s10 =	sld [smem:$0x3FB9];
	_ =	sdelay $0x3  }
0x34: {  	[smem:$0x3FB9] =	sst s10  }
0x35: {  	s10 =	sld [smem:$0x3FB8];
	_ =	sdelay $0x3  }
0x36: {  	p1 =	seq.s32 s10, $0x1;
	s10 =	sld [smem:$0x3FB9];
	_ =	sdelay $0x3  }
0x37: {  	[smem:$0x3FB9] =	sst s10  }
0x38: {  	s10 =	sld [smem:$0x3FBA]  }
0x39: {  	_ = 	snop;
	(pc) =	sbr.ind lr, $3  }
0x3a: {  	_ = 	snop  }
0x3b: {  	_ = 	snop  }
0x3c: {  	p2 =	seq.s32 s10, $0x1;
	s10 =	sld [smem:$0x3FB9]  }
0x3d: {  	_ =	shalt  }
0x3e: {  	_ =	shalt  }
0x3f: {  	_ =	shalt  }
0x40: {  	_ =	shalt  }
0x41: {  	_ =	shalt  }
0x42: {  	_ =	shalt  }
0x43: {  	_ =	shalt  }
0x44: {  	_ =	shalt  }
0x45: {  	_ =	shalt  }
0x46: {  	_ =	shalt  }
0x47: {  	_ =	shalt  }
0x48: {  	_ =	shalt  }
0x49: {  	_ =	shalt  }
0x4a: {  	_ =	shalt  }
0x4b: {  	_ =	shalt  }
0x4c: {  	_ =	shalt  }
0x4d: {  	_ =	shalt  }
0x4e: {  	_ =	shalt  }
0x4f: {  	_ =	shalt  }
0x50: {  	_ =	shalt  }
0x51: {  	_ =	shalt  }
0x52: {  	_ =	shalt  }
0x53: {  	_ =	shalt  }
0x54: {  	_ =	shalt  }
0x55: {  	_ =	shalt  }
0x56: {  	_ =	shalt  }
0x57: {  	_ =	shalt  }
0x58: {  	_ =	shalt  }
0x59: {  	_ =	shalt  }
0x5a: {  	_ =	shalt  }
0x5b: {  	_ =	shalt  }
0x5c: {  	_ =	shalt  }
0x5d: {  	_ =	shalt  }
0x5e: {  	_ =	shalt  }
0x5f: {  	_ =	shalt  }
0x60: {  	_ =	shalt  }
0x61: {  	_ =	shalt  }
0x62: {  	_ =	shalt  }
0x63: {  	_ =	shalt  }
0x64: {  	_ =	shalt  }
0x65: {  	_ =	shalt  }
0x66: {  	_ =	shalt  }
0x67: {  	_ =	shalt  }
0x68: {  	_ =	shalt  }
0x69: {  	_ =	shalt  }
0x6a: {  	_ =	shalt  }
0x6b: {  	_ =	shalt  }
0x6c: {  	_ =	shalt  }
0x6d: {  	_ =	shalt  }
0x6e: {  	_ =	shalt  }
0x6f: {  	_ =	shalt  }
0x70: {  	_ =	shalt  }
0x71: {  	_ =	shalt  }
0x72: {  	_ =	shalt  }
0x73: {  	_ =	shalt  }
0x74: {  	_ =	shalt  }
0x75: {  	_ =	shalt  }
0x76: {  	_ =	shalt  }
0x77: {  	_ =	shalt  }
0x78: {  	_ =	shalt  }
0x79: {  	_ =	shalt  }
0x7a: {  	_ =	shalt  }
0x7b: {  	_ =	shalt  }
0x7c: {  	_ =	shalt  }
0x7d: {  	_ =	shalt  }
0x7e: {  	_ =	shalt  }
0x7f: {  	_ =	shalt  }
0x80: {  	_ =	shalt  }
0x81: {  	_ =	shalt  }
0x82: {  	_ =	shalt  }
0x83: {  	_ =	shalt  }
0x84: {  	_ =	shalt  }
0x85: {  	_ =	shalt  }
0x86: {  	_ =	shalt  }
0x87: {  	_ =	shalt  }
.Lfunc_end0:
.L_simem_size_0:
called_computation_lowered:
.L_overlay_start_0:
0x88: {  	s2 =	sld [smem:$0x3FD9]  }
0x89: {  	s3 =	sld [smem:$0x3FFE];
	_ =	sdelay $0x1  }
0x8a: {  	s1 =	srdreg.scid  }
0x8b: {  	s0 =	sand.u32 $0x1, s1  }
0x8c: {  	s18 =	sshll.u32 s0, $0xA;
	s2 =	sadd.s32 s3, s2  }
0x8d: {  	s2 =	sadd.s32 s2, s18  }
0x8e: {  	[smem:$0x3FC5] =	sst s2  }
0x8f: {  	_ = 	snop  }
0x90: {  	s2 =	sld [smem:$0x3FC9]  }
0x91: {  	s19 =	sld [smem:$0x3FC8]  }
0x92: {  	s4 =	sld [smem:$0x3FC7]  }
0x93: {  	s5 =	sld [smem:$0x3FD0];
	(tm) =	ssettm $0x1  }
0x94: {  	s6 =	sld [smem:$0x3FFB];
	_ =	sdelay $0x3  }
0x95: {  	_ =	strace s6  }
0x96: {  	s6 =	sld [smem:$0x3FFC];
	_ =	sdelay $0x3  }
0x97: {  	_ =	strace s6  }
0x98: {  	s6 =	sld [smem:$0x3FFD];
	_ =	sdelay $0x3  }
0x99: {  	_ =	strace s6  }
0x9a: {  	_ =	strace $0x8FFFFFFF  }
0x9b: {  	s20 =	sld [smem:$0x3FDB];
	_ =	sdelay $0x1  }
0x9c: {  	s7 =	simm.s32 $_scs_section_size  }
0x9d: {  	s8 =	simm.s32 $_size__tile_overlayer_lowered;
	s9 =	simm.s32 $_tile_overlayer_lowered  }
0x9e: {  	s23 =	simm.s32 $0x1BFF;
	s22 =	sshll.u32 s9, $0x1;
	s6 =	sadd.s32 s7, s20  }
0x9f: {  	s10 =	simm.s32 $0x0;
	s21 =	sshll.u32 s8, $0x1;
	s8 =	sadd.s32 s22, s6  }
0xa0: {  	[timem:s10], [sflag:s23] =	dma.local [hbm:s8], s21  }
0xa1: {  	_ =	swait.ge [sflag:s23], s21  }
0xa2: {  	s7 =	ssub.s32 $0x0, s21;
	[sflag:s23] =	ssyncset.done $0x0  }
0xa3: {  	[sflag:s23] =	ssyncadd.s32 s7;
	_ =	sdelay $0x1  }
0xa4: {  	s24 =	simm.s32 $0x1B8B  }
0xa5: {  	_ =	swait.ge [sflag:s24], $0x1  }
0xa6: {  	[sflag:s24] =	ssyncset.done $0x0  }
0xa7: {  	s25 =	simm.s32 $0x1B8E;
	[sflag:s24] =	ssyncadd.s32 $0xFFFFFFFF  }
0xa8: {  	s26 =	simm.s32 $execute0_lowered;
	[smem:$0x3FD2] =	sst s25  }
0xa9: {  	s7 =	sshll.u32 s26, $0x1;
	_ =	strace $0x80000046;
	[dreg:$0x1] =	wrdreg $0xFFFFFFFF  }
0xaa: {  	s28 =	simm.s32 $_size_execute0_lowered;
	s6 =	sadd.s32 s6, s7;
	[dreg:$0x0] =	wrdreg $0x0  }
0xab: {  	s7 =	sshll.u32 s28, $0x1;
	[dreg:$0x2] =	wrdreg s6  }
0xac: {  	[dreg:$0x3] =	wrdreg s7  }
0xad: {  	[dreg:$0x4] =	wrdreg $0xC0  }
0xae: {  	_ =	task [dreg:s10], $0x5FFFF  }
0xaf: {  	[dreg:$0x1] =	wrdreg $0xFFFFFFFF  }
0xb0: {  	[dreg:$0x0] =	wrdreg $0x60  }
0xb1: {  	[dreg:$0x2] =	wrdreg s2  }
0xb2: {  	[dreg:$0x3] =	wrdreg s19  }
0xb3: {  	[dreg:$0x4] =	wrdreg s4  }
0xb4: {  	[dreg:$0x5] =	wrdreg s5  }
0xb5: {  	[dreg:$0x6] =	wrdreg $0x9  }
0xb6: {  	_ =	task.clear_ibuf [dreg:s10], $0x7FFFF;
	_ =	strace $0x90000046  }
0xb7: {  	s29 =	simm.s32 $0x9;
	_ =	strace $0x80000048  }
0xb8: {  	_ =	swait.ge [sflag:s29], $0x1  }
0xb9: {  	[sflag:s29] =	ssyncadd.s32 $0xFFFFFFFF  }
0xba: {  	_ =	strace $0x90000048  }
0xbb: {  	_ =	sfence  }
0xbc: {  	s30 =	sld [smem:$0x0];
	_ =	sdelay $0x2  }
0xbd: {  	s31 =	sshll.u32 s1, $0xD;
	s1 =	sshrl.u32 s1, $0x2  }
0xbe: {  	s3 =	sand.u32 $0x4000, s31;
	s1 =	sadd.s32 s1, s30  }
0xbf: {  	s0 =	sor.u32 s3, s0;
	s1 =	sshll.u32 s1, $0x11  }
0xc0: {  	s0 =	sor.u32 s1, s0  }
0xc1: {  	s0 =	sadd.s32 $0x8F2B, s0  }
0xc2: {  	[sflag:s0] =	ssyncadd.remote.s32 $0x1  }
0xc3: {  	_ =	sfence.sel $0xFFFF  }
0xc4: {  	[dreg:$0x0] =	wrdreg $0xFFFFFFFF;
	(pc) =	sbr.abs _section_cstart, $3  }
0xc5: {  	[dreg:$0x1] =	wrdreg $0xFFFFFFFF  }
0xc6: {  	_ =	task.clear_ibuf [dreg:s10], $0x2FFFF;
	_ =	strace $0x9FFFFFFF  }
0xc7: {  	(tm) =	ssettm $0x7FFFFFFF  }
tec
execute0_lowered:
.L_overlay_start_1:
0x0: {  	(tag) =	ssettag $0x1  }
0x1: {  	s4 =	rddreg [dreg:$0x0]  }
0x2: {  	s5 =	rddreg [dreg:$0x1]  }
0x3: {  	s1 =	rddreg [dreg:$0x2]  }
0x4: {  	s6 =	rddreg [dreg:$0x3]  }
0x5: {  	s0 =	rddreg [dreg:$0x4];
	s7 =	srdreg.scid  }
0x6: {  	s3 =	simm.s32 $0x0;
	s2 =	stileid.u32;
	s11 =	simm.s32 $0x400  }
0x7: {  	s12 =	simm.s32 $0x600;
	s13 =	simm.s32 $0x480;
	s14 =	simm.s32 $0x4600  }
0x8: {  	s15 =	simm.s32 $0x500;
	s16 =	simm.s32 $0x8600;
	s17 =	simm.s32 $0x580  }
0x9: {  	s18 =	simm.s32 $0xC600;
	s19 =	simm.s32 $0x1;
	s7 =	sand.u32 $0x1, s7  }
0xa: {  	s20 =	simm.s32 $0x0;
	s9 =	sshll.u32 s2, $0xA;
	s8 =	ssub.s32 $0x2, s7  }
0xb: {  	[smem:$0x7FF] =	sst s3;
	s7 =	sshll.u32 s7, $0x9;
	s10 =	sshrl.u32 s8, $0x1  }
0xc: {  	_ =	strace $0x80000047;
	s7 =	sor.u32 s7, s9;
	s8 =	ssub.s32 s8, s10  }
0xd: {  	s9 =	sshrl.u32 s7, $0x3;
	s7 =	sshll.u32 s7, $0x4;
	s10 =	simm.s32 $0x80  }
0xe: {  	s4 =	sadd.s32 s4, s9;
	s5 =	sadd.s32 s5, s9;
	s6 =	sadd.s32 s6, s7  }
0xf: {  	s7 =	smax.u32 s8, $0x1;
	s8 =	simm.s32 $0x2;
	s9 =	simm.s32 $0x200  }
.LBB2_1:
0x10: {  	[tilespmem:s3], [sflag:$0x2] =	stream.linear.gather [hbm4b:s4+s3], $0x200, $0x38;
	[tilespmem:$0x10600] =	vst v63  }
0x11: {  	_ =	swait.ge [sflag:s8], $0x200  }
0x12: {  	[sflag:s8] =	ssyncset.done $0x0  }
0x13: {  	[sflag:s8] =	ssyncadd.s32 $0xFFFFFE00  }
0x14: {  	[tilespmem:s9], [sflag:$0x2] =	stream.linear.gather [hbm4b:s5+s3], $0x200, $0x38;
	[tilespmem:$0x10600] =	vst v63  }
0x15: {  	_ =	swait.ge [sflag:s8], $0x200  }
0x16: {  	[sflag:s8] =	ssyncset.done $0x0  }
0x17: {  	s21 =	simm.s32 $0x0;
	[sflag:s8] =	ssyncadd.s32 $0xFFFFFE00  }
0x18: {  	v0 =	vld [tilespmem:s21+$0x0]  }
0x19: {  	s22 =	simm.s32 $0x40;
	v1 =	vld [tilespmem:s21+$0x200]  }
.LBB2_2:
0x1a: {  	_ = 	snop  }
0x1b: {  	p0 =	sne.s32 s22, $0x7C0  }
.Ltmp0:
0x1c: {  	_ = 	snop;
	(pc) =	sbr.rel @p0 .LBB2_2-.Ltmp0, $4  }
0x1d: {  	v2 =	vmul.u32 $0x97, v0  }
0x1e: {  	s23 =	sshra.s32 s22, $0x2  }
0x1f: {  	v0 =	vld [tilespmem:s23+$0x0];
	v2 =	vadd.s32 v1, v2  }
0x20: {  	s22 =	sadd.s32 $0x40, s22;
	v1 =	vld [tilespmem:s23+$0x200];
	[tilespmem:s21+$0x400] =	vst v2;
	s21 =	smov.u32 s23  }
0x21: {  	_ =	sdelay $0x2  }
0x22: {  	v0 =	vmul.u32 $0x97, v0;
	_ =	sdelay $0x1  }
0x23: {  	v0 =	vadd.s32 v1, v0  }
0x24: {  	[tilespmem:s21+$0x400] =	vst v0  }
0x25: {  	[tilespmem:s12], [sflag:$0x1] =	stream.indirect.gather [hbm4b:s1+s10], $0x80, s11, s10, $0xb8;
	[tilespmem:$0x10600] =	vst v63  }
0x26: {  	_ = 	snop  }
0x27: {  	[tilespmem:s14], [sflag:$0x1] =	stream.indirect.gather [hbm4b:s1+s10], $0x80, s13, s10, $0xb8;
	[tilespmem:$0x10600] =	vst v63  }
0x28: {  	_ = 	snop  }
0x29: {  	[tilespmem:s16], [sflag:$0x1] =	stream.indirect.gather [hbm4b:s1+s10], $0x80, s15, s10, $0xb8;
	[tilespmem:$0x10600] =	vst v63  }
0x2a: {  	_ = 	snop  }
0x2b: {  	[tilespmem:s18], [sflag:$0x1] =	stream.indirect.gather [hbm4b:s1+s10], $0x80, s17, s10, $0xb8;
	[tilespmem:$0x10600] =	vst v63  }
0x2c: {  	_ =	swait.ge [sflag:s19], $0x4000  }
0x2d: {  	[sflag:s19] =	ssyncset.done $0x0  }
0x2e: {  	[sflag:s19] =	ssyncadd.s32 $0xFFFFC000  }
0x2f: {  	_ =	swait.ge [sflag:s19], $0x4000  }
0x30: {  	[sflag:s19] =	ssyncset.done $0x0  }
0x31: {  	[sflag:s19] =	ssyncadd.s32 $0xFFFFC000  }
0x32: {  	_ =	swait.ge [sflag:s19], $0x4000  }
0x33: {  	[sflag:s19] =	ssyncset.done $0x0  }
0x34: {  	[sflag:s19] =	ssyncadd.s32 $0xFFFFC000  }
0x35: {  	s20 =	sadd.s32 $0x1, s20;
	_ =	swait.ge [sflag:s19], $0x4000  }
0x36: {  	p0 =	sne.s32 s20, s7;
	[sflag:s19] =	ssyncset.done $0x0  }
.Ltmp1:
0x37: {  	[sflag:s19] =	ssyncadd.s32 $0xFFFFC000;
	(pc) =	sbr.rel @p0 .LBB2_1-.Ltmp1, $4  }
0x38: {  	[hbm4b:s6+s3] =	stream.linear.scatter [tilespmem:s12], [sflag:$0x2], $0x10000, $0x38;
	[tilespmem:$0x10600] =	vst v63  }
0x39: {  	_ =	swait.ge [sflag:s8], $0x10000  }
0x3a: {  	[sflag:s8] =	ssyncset.done $0x0  }
0x3b: {  	[sflag:s8] =	ssyncadd.s32 $0xFFFF0000  }
0x3c: {  	_ =	sfence.sel $0x180000  }
0x3d: {  	[bflag:$0x0] =	sbarrier.arrive $0xFFFF  }
0x3e: {  	p0 =	sne.s32 s2, $0x0;
	_ =	strace $0x90000047  }
0x3f: {  	s0 =	sadd.s32 @!p0 $0x100000, s0;
	[bflag:$0x2] =	sbarrier.arrive $0xFFFF  }
0x40: {  	[sflag:s0] =	ssyncadd.tile.s32 @!p0 $0x1;
	_ =	shalt  }
.Lfunc_end2:
_tile_overlayer_lowered:
.L_overlay_start_2:
0x41: {  	(tag) =	ssettag $0x2  }
0x42: {  	s0 =	rddreg [dreg:$0x0];
	s2 =	stileid.u32  }
0x43: {  	s1 =	rddreg [dreg:$0x1];
	p0 =	sne.s32 s2, $0x0  }
0x44: {  	s3 =	rddreg [dreg:$0x2];
	[bflag:$0x3] =	sbarrier.arrive $0xFFFF;
	s2 =	simm.s32 @!p0 $0x1C02  }
0x45: {  	[timem:s3], [sflag:s2] =	dma.local @!p0 [hbm:s0], s1  }
0x46: {  	s0 =	simm.s32 @!p0 $0x2  }
0x47: {  	_ =	swait.ge @!p0 [sflag:s0], s1  }
0x48: {  	s1 =	ssub.s32 @!p0 $0x0, s1;
	[sflag:s0] =	ssyncset.done @!p0 $0x0  }
0x49: {  	[sflag:s0] =	ssyncadd.s32 @!p0 s1  }
0x4a: {  	[bflag:$0x3] =	sbarrier.arrive $0xFFFF  }
0x4b: {  	_ =	shalt  }

</sc_bundles>
